<compile_context>
chip_gen: v7x
topology: tpu7x:2x2x1
jax: 0.10.2.dev20260603
libtpu: 0.0.44.dev20260713+nightly
codegen_flags: <defaults>
</compile_context>

<pallas_src>
import functools

import jax
import jax.numpy as jnp
from jax import lax
from jax.experimental import pallas as pl
from jax.experimental.pallas import tpu as pltpu
from jax.experimental.pallas import tpu_sc as plsc

B, L, WIN, H = 64, 4096, 5, 64
NUM_ST, NUM_IN = 16, 2
SIGMA = 0.5
NTAB = NUM_ST * NUM_IN
D = 2 * B
NW = 32
ROWS_PER_W = L // NW
CH = 512


@functools.lru_cache(maxsize=None)
def _make_sc_gather():
    mesh = plsc.VectorSubcoreMesh(core_axis_name="c", subcore_axis_name="s")

    @functools.partial(
        pl.kernel,
        out_type=jax.ShapeDtypeStruct((L, D), jnp.float32),
        mesh=mesh,
        scratch_types=[
            pltpu.VMEM((ROWS_PER_W,), jnp.int32),
            pltpu.VMEM((ROWS_PER_W, D), jnp.float32),
            pltpu.SemaphoreType.DMA,
        ],
    )
    def sc_gather(table_hbm, idx_hbm, out_hbm, idx_v, rows_v, sem):
        wid = lax.axis_index("s") * 2 + lax.axis_index("c")
        base = wid * ROWS_PER_W
        pltpu.sync_copy(idx_hbm.at[pl.ds(base, ROWS_PER_W)], idx_v)
        pltpu.async_copy(table_hbm.at[idx_v], rows_v, sem).wait()
        pltpu.sync_copy(rows_v, out_hbm.at[pl.ds(base, ROWS_PER_W)])

    return sc_gather


def _tc_body(bits, g, pi, w1a, b1a, w2a, b2a, w1b, b1b, w2b, b2b,
             o_par1, o_par2, o_isys, o_c1, o_c2):
    wb = 2.0 * pi[...] - 1.0

    def table(w1, b1, w2, b2):
        h = jnp.tanh(jnp.dot(wb, w1[...],
                             preferred_element_type=jnp.float32) + b1[...])
        t = jnp.tanh(jnp.dot(h, w2[...],
                             preferred_element_type=jnp.float32) + b2[...])
        return t[:, 0]

    ta = table(w1a, b1a, w2a, b2a)
    tb = table(w1b, b1b, w2b, b2b)

    bits_i = bits[...]
    gv = g[...]
    eye = (lax.broadcasted_iota(jnp.int32, (B, B), 0)
           == lax.broadcasted_iota(jnp.int32, (B, B), 1)).astype(jnp.float32)
    tdn = (((1,), (1,)), ((), ()))
    bpf = lax.dot_general(eye, gv[:, :B], tdn,
                          preferred_element_type=jnp.float32)
    nspv = lax.dot_general(eye, gv[:, B:], tdn,
                           precision=lax.Precision.HIGHEST,
                           preferred_element_type=jnp.float32)
    bpi = bpf.astype(jnp.int32)

    def widx(b):
        acc = b
        for k in range(1, WIN):
            acc = acc + (1 << k) * jnp.concatenate(
                [jnp.zeros((B, k), jnp.int32), b[:, : L - k]], axis=1)
        return acc

    ta_b = jnp.broadcast_to(ta[None, :], (B, NTAB))
    tb_b = jnp.broadcast_to(tb[None, :], (B, NTAB))
    pa = jnp.take_along_axis(ta_b, widx(bits_i), axis=1)
    pb = jnp.take_along_axis(tb_b, widx(bpi), axis=1)
    o_par1[...] = pa
    o_par2[...] = pb
    sum1 = jnp.sum(pa); sq1 = jnp.sum(pa * pa)
    sum2 = jnp.sum(pb); sq2 = jnp.sum(pb * pb)
    o_isys[...] = 2.0 * bpf - 1.0 + SIGMA * nspv

    inv_n = jnp.float32(1.0 / (B * L))
    m1 = sum1 * inv_n
    m2 = sum2 * inv_n
    is1 = lax.rsqrt(jnp.maximum(sq1 * inv_n - m1 * m1, 1e-30))
    is2 = lax.rsqrt(jnp.maximum(sq2 * inv_n - m2 * m2, 1e-30))

    for c in range(L // CH):
        lo = c * CH
        o_par1[:, lo:lo + CH] = (o_par1[:, lo:lo + CH] - m1) * is1
        o_par2[:, lo:lo + CH] = (o_par2[:, lo:lo + CH] - m2) * is2

    o_c1[...] = jnp.concatenate(
        [wb[:, WIN - 1:WIN], ((ta - m1) * is1)[:, None]], axis=1)
    o_c2[...] = jnp.concatenate(
        [wb[:, WIN - 1:WIN], ((tb - m2) * is2)[:, None]], axis=1)


def _tc_call(bits, g, pi, *weights):
    return pl.pallas_call(
        _tc_body,
        out_shape=[
            jax.ShapeDtypeStruct((B, L), jnp.float32),
            jax.ShapeDtypeStruct((B, L), jnp.float32),
            jax.ShapeDtypeStruct((B, L), jnp.float32),
            jax.ShapeDtypeStruct((NTAB, 2), jnp.float32),
            jax.ShapeDtypeStruct((NTAB, 2), jnp.float32),
        ],
    )(bits, g, pi, *weights)


def kernel(input_stream, permutation, W1a, b1a, W2a, b2a, W1b, b1b, W2b, b2b,
           noise_sys, noise_par1, noise_par2, possible_inputs, next_states,
           prev_states):
    bits_f = input_stream.astype(jnp.float32)
    ns = noise_sys[:, :, 0]
    packed = jnp.concatenate([bits_f, ns], axis=0).T
    g = _make_sc_gather()(packed, permutation.astype(jnp.int32))
    par1n, par2n, isys, c1, c2 = _tc_call(
        input_stream.astype(jnp.int32), g, possible_inputs,
        W1a, b1a.reshape(1, H), W2a, b2a.reshape(1, 1),
        W1b, b1b.reshape(1, H), W2b, b2b.reshape(1, 1))
    o_sys = (2.0 * bits_f - 1.0)[:, :, None] + SIGMA * noise_sys
    o_par1 = par1n[:, :, None] + SIGMA * noise_par1
    o_par2 = par2n[:, :, None] + SIGMA * noise_par2
    return (o_sys, o_par1, isys[:, :, None], o_par2,
            c1.reshape(NUM_ST, NUM_IN, 2), c2.reshape(NUM_ST, NUM_IN, 2))

# --- scband reference (transcript-rebuilt; emitter-appended) ---
"""Pipeline reference for scband-turbo-systematic-separate-encoder-21723944583241 (READ-ONLY COPY).

The authoritative reference and input builder live on the scoring server;
editing this copy changes nothing except your own understanding.
"""

import jax, jax.numpy as jnp
import numpy as np

B, L, WIN, H = 64, 4096, 5, 64
NUM_STATES, NUM_INPUTS = 16, 2
SIGMA = 0.5


def _encode_stream(bits, W1, b1, W2, b2):
    # bits: [B, L] in {0,1}; systematic bipolar output + CNN parity over causal windows
    xb = 2.0 * bits - 1.0
    xp = jnp.pad(xb, ((0, 0), (WIN - 1, 0)), constant_values=-1.0)
    idx = jnp.arange(L)[:, None] + jnp.arange(WIN)[None, :]
    windows = xp[:, idx]  # [B, L, WIN]
    h = jnp.tanh(windows @ W1 + b1)
    par = jnp.tanh(h @ W2 + b2)  # [B, L, 1]
    sys = xb[..., None]  # [B, L, 1]
    return sys, par


def _encode_table(pi_bits, W1, b1, W2, b2):
    # pi_bits: [num_states*num_inputs, WIN] enumerated trellis windows (pad=False path)
    wb = 2.0 * pi_bits - 1.0
    h = jnp.tanh(wb @ W1 + b1)
    par = jnp.tanh(h @ W2 + b2)  # [N, 1]
    sys = wb[:, -1:]  # [N, 1]
    return sys, par


def _constraint(x):
    mean = jnp.mean(x)
    std = jnp.std(x)
    return (x - mean) / std, mean, std


def _power_constrain(x, mean, std):
    return (x - mean) / std


def setup_inputs(seed: int = 0):
    key = jax.random.key(seed)
    ks = jax.random.split(key, 16)
    input_stream = jax.random.randint(ks[0], (B, L), 0, 2).astype(jnp.int32)
    permutation = jax.random.permutation(ks[1], L).astype(jnp.int32)
    W1a = 0.1 * jax.random.normal(ks[2], (WIN, H), dtype=jnp.float32)
    b1a = 0.1 * jax.random.normal(ks[3], (H,), dtype=jnp.float32)
    W2a = 0.1 * jax.random.normal(ks[4], (H, 1), dtype=jnp.float32)
    b2a = 0.1 * jax.random.normal(ks[5], (1,), dtype=jnp.float32)
    W1b = 0.1 * jax.random.normal(ks[6], (WIN, H), dtype=jnp.float32)
    b1b = 0.1 * jax.random.normal(ks[7], (H,), dtype=jnp.float32)
    W2b = 0.1 * jax.random.normal(ks[8], (H, 1), dtype=jnp.float32)
    b2b = 0.1 * jax.random.normal(ks[9], (1,), dtype=jnp.float32)
    noise_sys = jax.random.normal(ks[10], (B, L, 1), dtype=jnp.float32)
    noise_par1 = jax.random.normal(ks[11], (B, L, 1), dtype=jnp.float32)
    noise_par2 = jax.random.normal(ks[12], (B, L, 1), dtype=jnp.float32)
    rows = []
    for s in range(NUM_STATES):
        for u in range(NUM_INPUTS):
            rows.append([(s >> 3) & 1, (s >> 2) & 1, (s >> 1) & 1, s & 1, u])
    possible_inputs = jnp.array(np.array(rows, dtype=np.float32))
    next_states = jnp.array([[((s << 1) | u) & (NUM_STATES - 1) for u in range(NUM_INPUTS)] for s in range(NUM_STATES)], dtype=jnp.int32)
    prev_states = jnp.array([[(s >> 1) | (u << (WIN - 2)) for u in range(NUM_INPUTS)] for s in range(NUM_STATES)], dtype=jnp.int32)
    return {"input_stream": input_stream, "permutation": permutation,
            "W1a": W1a, "b1a": b1a, "W2a": W2a, "b2a": b2a,
            "W1b": W1b, "b1b": b1b, "W2b": W2b, "b2b": b2b,
            "noise_sys": noise_sys, "noise_par1": noise_par1, "noise_par2": noise_par2,
            "possible_inputs": possible_inputs, "next_states": next_states, "prev_states": prev_states}


def reference(input_stream, permutation, W1a, b1a, W2a, b2a, W1b, b1b, W2b, b2b,
              noise_sys, noise_par1, noise_par2, possible_inputs, next_states, prev_states):
    bits = input_stream.astype(jnp.float32)
    interleaved = jnp.take(bits, permutation, axis=1)
    non_i_sys, non_i_par = _encode_stream(bits, W1a, b1a, W2a, b2a)
    _, i_par = _encode_stream(interleaved, W1b, b1b, W2b, b2b)
    non_i_par, mean1, std1 = _constraint(non_i_par)
    i_par, mean2, std2 = _constraint(i_par)
    # get_code_outputs (pad=False on enumerated trellis windows)
    sys_out, par1_out = _encode_table(possible_inputs, W1a, b1a, W2a, b2a)
    _, par2_out = _encode_table(possible_inputs, W1b, b1b, W2b, b2b)
    par1_out = _power_constrain(par1_out, mean1, std1)
    par2_out = _power_constrain(par2_out, mean2, std2)
    code1 = jnp.reshape(jnp.concatenate([sys_out, par1_out], axis=1), (NUM_STATES, NUM_INPUTS, -1))
    code2 = jnp.reshape(jnp.concatenate([sys_out, par2_out], axis=1), (NUM_STATES, NUM_INPUTS, -1))
    # AWGN channel
    non_i_sys_c = non_i_sys + SIGMA * noise_sys
    non_i_par_c = non_i_par + SIGMA * noise_par1
    i_par_c = i_par + SIGMA * noise_par2
    i_sys_c = jnp.take(non_i_sys_c, permutation, axis=1)
    # trellis next_states/prev_states are passed through unchanged in the msg dict; omitted from returns
    return (non_i_sys_c, non_i_par_c, i_sys_c, i_par_c, code1, code2)

if __name__ == "__main__":
    import jax
    _d = setup_inputs()
    print(jax.jit(kernel)(*tuple(_d.values())))

</pallas_src>

<mosaic_0001>
#map = affine_map<(d0, d1) -> (0, 0)>
#map1 = affine_map<(d0, d1) -> (0)>
module attributes {stable_mosaic.version = 14 : i64} {
  func.func @sc_gather(%arg0: i32, %arg1: i32, %arg2: memref<4096x128xf32, #tpu.memory_space<hbm>>, %arg3: memref<4096xi32, #tpu.memory_space<hbm>>, %arg4: memref<4096x128xf32, #tpu.memory_space<hbm>>, %arg5: memref<128xi32, #tpu.memory_space<vmem>>, %arg6: memref<128x128xf32, #tpu.memory_space<vmem>>, %arg7: memref<!tpu.dma_semaphore, #tpu.memory_space<semaphore_mem>>) attributes {dimension_semantics = [#tpu.dimension_semantics<core_parallel>, #tpu.dimension_semantics<subcore_parallel>], iteration_bounds = array<i64: 2, 16>, scalar_prefetch = 0 : i64, scratch_operands = 3 : i64, tpu.core_type = #tpu.core_type<sc_vector_subcore>, window_params = [{transform_indices = #map}, {transform_indices = #map1}, {transform_indices = #map}]} {
    %mul3A = arith.constant 2 : i32
    %mul3A_0 = arith.muli %arg1, %mul3A : i32
    %add3A = arith.addi %mul3A_0, %arg0 : i32
    %mul3A_1 = arith.constant 128 : i32
    %mul3A_2 = arith.muli %add3A, %mul3A_1 : i32
    "tpu.region"() ({
      %run_scoped3A = tpu.sem_alloc : memref<!tpu.dma_semaphore, #tpu.memory_space<semaphore_mem>>
      %dma_start3A_7 = tpu.memref_slice %arg3[%mul3A_2] : memref<4096xi32, #tpu.memory_space<hbm>> -> memref<128xi32, #tpu.memory_space<hbm>>
      %dma_start3A_8 = tpu.memref_slice %arg3[%mul3A_2] : memref<4096xi32, #tpu.memory_space<hbm>> -> memref<128xi32, #tpu.memory_space<hbm>>
      tpu.enqueue_dma source(%dma_start3A_8 : memref<128xi32, #tpu.memory_space<hbm>>) target(%arg5 : memref<128xi32, #tpu.memory_space<vmem>>) target_semaphore(%run_scoped3A : memref<!tpu.dma_semaphore, #tpu.memory_space<semaphore_mem>>)
      %dma_wait3A_9 = tpu.memref_slice %arg3[%mul3A_2] : memref<4096xi32, #tpu.memory_space<hbm>> -> memref<128xi32, #tpu.memory_space<hbm>>
      %dma_wait3A_10 = tpu.memref_slice %arg3[%mul3A_2] : memref<4096xi32, #tpu.memory_space<hbm>> -> memref<128xi32, #tpu.memory_space<hbm>>
      tpu.wait_dma2 semaphore(%run_scoped3A : memref<!tpu.dma_semaphore, #tpu.memory_space<semaphore_mem>>) src(%dma_wait3A_10 : memref<128xi32, #tpu.memory_space<hbm>>) dst(%arg5 : memref<128xi32, #tpu.memory_space<vmem>>)
      tpu.yield
    }) : () -> ()
    %dma_start3A = arith.constant 0 : i32
    %dma_start3A_3 = arith.constant 0 : i32
    %dma_start3A_4 = tpu.memref_slice %arg2[%dma_start3A, %dma_start3A_3] : memref<4096x128xf32, #tpu.memory_space<hbm>> -> memref<4096x128xf32, #tpu.memory_space<hbm>>
    tpu.enqueue_indirect_dma source(%dma_start3A_4 : memref<4096x128xf32, #tpu.memory_space<hbm>>) target(%arg6 : memref<128x128xf32, #tpu.memory_space<vmem>>) offsets(%arg5 : memref<128xi32, #tpu.memory_space<vmem>>) semaphore(%arg7 : memref<!tpu.dma_semaphore, #tpu.memory_space<semaphore_mem>>)
    %dma_wait3A = arith.constant 0 : i32
    %dma_wait3A_5 = arith.constant 0 : i32
    %dma_wait3A_6 = tpu.memref_slice %arg2[%dma_wait3A, %dma_wait3A_5] : memref<4096x128xf32, #tpu.memory_space<hbm>> -> memref<4096x128xf32, #tpu.memory_space<hbm>>
    tpu.wait_indirect_dma semaphore(%arg7 : memref<!tpu.dma_semaphore, #tpu.memory_space<semaphore_mem>>) src(%dma_wait3A_6 : memref<4096x128xf32, #tpu.memory_space<hbm>>) dst(%arg6 : memref<128x128xf32, #tpu.memory_space<vmem>>)
    "tpu.region"() ({
      %run_scoped3A = tpu.sem_alloc : memref<!tpu.dma_semaphore, #tpu.memory_space<semaphore_mem>>
      %dma_start3A_7 = arith.constant 0 : i32
      %dma_start3A_8 = tpu.memref_slice %arg4[%mul3A_2, %dma_start3A_7] : memref<4096x128xf32, #tpu.memory_space<hbm>> -> memref<128x128xf32, #tpu.memory_space<hbm>>
      %dma_start3A_9 = arith.constant 0 : i32
      %dma_start3A_10 = tpu.memref_slice %arg4[%mul3A_2, %dma_start3A_9] : memref<4096x128xf32, #tpu.memory_space<hbm>> -> memref<128x128xf32, #tpu.memory_space<hbm>>
      tpu.enqueue_dma source(%arg6 : memref<128x128xf32, #tpu.memory_space<vmem>>) target(%dma_start3A_10 : memref<128x128xf32, #tpu.memory_space<hbm>>) target_semaphore(%run_scoped3A : memref<!tpu.dma_semaphore, #tpu.memory_space<semaphore_mem>>)
      %dma_wait3A_11 = arith.constant 0 : i32
      %dma_wait3A_12 = tpu.memref_slice %arg4[%mul3A_2, %dma_wait3A_11] : memref<4096x128xf32, #tpu.memory_space<hbm>> -> memref<128x128xf32, #tpu.memory_space<hbm>>
      %dma_wait3A_13 = arith.constant 0 : i32
      %dma_wait3A_14 = tpu.memref_slice %arg4[%mul3A_2, %dma_wait3A_13] : memref<4096x128xf32, #tpu.memory_space<hbm>> -> memref<128x128xf32, #tpu.memory_space<hbm>>
      tpu.wait_dma2 semaphore(%run_scoped3A : memref<!tpu.dma_semaphore, #tpu.memory_space<semaphore_mem>>) src(%arg6 : memref<128x128xf32, #tpu.memory_space<vmem>>) dst(%dma_wait3A_14 : memref<128x128xf32, #tpu.memory_space<hbm>>)
      tpu.yield
    }) : () -> ()
    return
  }
}

module attributes {stable_mosaic.version = 14 : i64} {
  func.func @_tc_body(%arg0: memref<64x4096xi32, #tpu.memory_space<vmem>>, %arg1: memref<4096x128xf32, #tpu.memory_space<vmem>>, %arg2: memref<32x5xf32, #tpu.memory_space<vmem>>, %arg3: memref<5x64xf32, #tpu.memory_space<vmem>>, %arg4: memref<1x64xf32, #tpu.memory_space<vmem>>, %arg5: memref<64x1xf32, #tpu.memory_space<vmem>>, %arg6: memref<1x1xf32, #tpu.memory_space<vmem>>, %arg7: memref<5x64xf32, #tpu.memory_space<vmem>>, %arg8: memref<1x64xf32, #tpu.memory_space<vmem>>, %arg9: memref<64x1xf32, #tpu.memory_space<vmem>>, %arg10: memref<1x1xf32, #tpu.memory_space<vmem>>, %arg11: memref<64x4096xf32, #tpu.memory_space<vmem>>, %arg12: memref<64x4096xf32, #tpu.memory_space<vmem>>, %arg13: memref<64x4096xf32, #tpu.memory_space<vmem>>, %arg14: memref<32x2xf32, #tpu.memory_space<vmem>>, %arg15: memref<32x2xf32, #tpu.memory_space<vmem>>) attributes {dimension_semantics = [], scalar_prefetch = 0 : i64, scratch_operands = 0 : i64, tpu.core_type = #tpu.core_type<tc>} {
    %get3A = arith.constant 0 : index
    %get3A_0 = arith.constant 0 : index
    %get3A_1 = vector.load %arg2[%get3A, %get3A_0] : memref<32x5xf32, #tpu.memory_space<vmem>>, vector<32x5xf32>
    %mul3A = arith.constant 2.000000e+00 : f32
    %mul3A_2 = vector.broadcast %mul3A : f32 to vector<32x5xf32>
    %mul3A_3 = arith.mulf %mul3A_2, %get3A_1 : vector<32x5xf32>
    %sub3A = arith.constant 1.000000e+00 : f32
    %sub3A_4 = vector.broadcast %sub3A : f32 to vector<32x5xf32>
    %sub3A_5 = arith.subf %mul3A_3, %sub3A_4 : vector<32x5xf32>
    %get3A_6 = arith.constant 0 : index
    %get3A_7 = arith.constant 0 : index
    %get3A_8 = vector.load %arg3[%get3A_6, %get3A_7] : memref<5x64xf32, #tpu.memory_space<vmem>>, vector<5x64xf32>
    %dot_general3A = arith.constant dense<0.000000e+00> : vector<32x64xf32>
    %dot_general3A_9 = tpu.matmul %sub3A_5, %get3A_8, %dot_general3A {dimension_numbers = #tpu.dot_dimension_numbers<[1], [0], [0], [1], [0, 0, 1, 1], [], []>, transpose_lhs_hint = false} : vector<32x5xf32>, vector<5x64xf32>, vector<32x64xf32> -> vector<32x64xf32>
    %get3A_10 = arith.constant 0 : index
    %get3A_11 = arith.constant 0 : index
    %get3A_12 = vector.load %arg4[%get3A_10, %get3A_11] : memref<1x64xf32, #tpu.memory_space<vmem>>, vector<1x64xf32>
    %add3A = vector.broadcast %get3A_12 : vector<1x64xf32> to vector<32x64xf32>
    %add3A_13 = arith.addf %dot_general3A_9, %add3A : vector<32x64xf32>
    %tanh3A = math.tanh %add3A_13 : vector<32x64xf32>
    %get3A_14 = arith.constant 0 : index
    %get3A_15 = arith.constant 0 : index
    %get3A_16 = vector.load %arg5[%get3A_14, %get3A_15] : memref<64x1xf32, #tpu.memory_space<vmem>>, vector<64x1xf32>
    %dot_general3A_17 = arith.constant dense<0.000000e+00> : vector<32x1xf32>
    %dot_general3A_18 = tpu.matmul %tanh3A, %get3A_16, %dot_general3A_17 {dimension_numbers = #tpu.dot_dimension_numbers<[1], [0], [0], [1], [0, 0, 1, 1], [], []>, transpose_lhs_hint = false} : vector<32x64xf32>, vector<64x1xf32>, vector<32x1xf32> -> vector<32x1xf32>
    %get3A_19 = arith.constant 0 : index
    %get3A_20 = arith.constant 0 : index
    %get3A_21 = vector.load %arg6[%get3A_19, %get3A_20] : memref<1x1xf32, #tpu.memory_space<vmem>>, vector<1x1xf32>
    %add3A_22 = vector.broadcast %get3A_21 : vector<1x1xf32> to vector<32x1xf32>
    %add3A_23 = arith.addf %dot_general3A_18, %add3A_22 : vector<32x1xf32>
    %tanh3A_24 = math.tanh %add3A_23 : vector<32x1xf32>
    %squeeze3A = vector.shape_cast %tanh3A_24 : vector<32x1xf32> to vector<32xf32>
    %get3A_25 = arith.constant 0 : index
    %get3A_26 = arith.constant 0 : index
    %get3A_27 = vector.load %arg7[%get3A_25, %get3A_26] : memref<5x64xf32, #tpu.memory_space<vmem>>, vector<5x64xf32>
    %dot_general3A_28 = arith.constant dense<0.000000e+00> : vector<32x64xf32>
    %dot_general3A_29 = tpu.matmul %sub3A_5, %get3A_27, %dot_general3A_28 {dimension_numbers = #tpu.dot_dimension_numbers<[1], [0], [0], [1], [0, 0, 1, 1], [], []>, transpose_lhs_hint = false} : vector<32x5xf32>, vector<5x64xf32>, vector<32x64xf32> -> vector<32x64xf32>
    %get3A_30 = arith.constant 0 : index
    %get3A_31 = arith.constant 0 : index
    %get3A_32 = vector.load %arg8[%get3A_30, %get3A_31] : memref<1x64xf32, #tpu.memory_space<vmem>>, vector<1x64xf32>
    %add3A_33 = vector.broadcast %get3A_32 : vector<1x64xf32> to vector<32x64xf32>
    %add3A_34 = arith.addf %dot_general3A_29, %add3A_33 : vector<32x64xf32>
    %tanh3A_35 = math.tanh %add3A_34 : vector<32x64xf32>
    %get3A_36 = arith.constant 0 : index
    %get3A_37 = arith.constant 0 : index
    %get3A_38 = vector.load %arg9[%get3A_36, %get3A_37] : memref<64x1xf32, #tpu.memory_space<vmem>>, vector<64x1xf32>
    %dot_general3A_39 = arith.constant dense<0.000000e+00> : vector<32x1xf32>
    %dot_general3A_40 = tpu.matmul %tanh3A_35, %get3A_38, %dot_general3A_39 {dimension_numbers = #tpu.dot_dimension_numbers<[1], [0], [0], [1], [0, 0, 1, 1], [], []>, transpose_lhs_hint = false} : vector<32x64xf32>, vector<64x1xf32>, vector<32x1xf32> -> vector<32x1xf32>
    %get3A_41 = arith.constant 0 : index
    %get3A_42 = arith.constant 0 : index
    %get3A_43 = vector.load %arg10[%get3A_41, %get3A_42] : memref<1x1xf32, #tpu.memory_space<vmem>>, vector<1x1xf32>
    %add3A_44 = vector.broadcast %get3A_43 : vector<1x1xf32> to vector<32x1xf32>
    %add3A_45 = arith.addf %dot_general3A_40, %add3A_44 : vector<32x1xf32>
    %tanh3A_46 = math.tanh %add3A_45 : vector<32x1xf32>
    %squeeze3A_47 = vector.shape_cast %tanh3A_46 : vector<32x1xf32> to vector<32xf32>
    %get3A_48 = arith.constant 0 : index
    %get3A_49 = arith.constant 0 : index
    %get3A_50 = vector.load %arg0[%get3A_48, %get3A_49] : memref<64x4096xi32, #tpu.memory_space<vmem>>, vector<64x4096xi32>
    %get3A_51 = arith.constant 0 : index
    %get3A_52 = arith.constant 0 : index
    %get3A_53 = vector.load %arg1[%get3A_51, %get3A_52] : memref<4096x128xf32, #tpu.memory_space<vmem>>, vector<4096x128xf32>
    %iota3A = tpu.iota {dimensions = array<i32: 0>} : vector<64x64xi32>
    %iota3A_54 = tpu.iota {dimensions = array<i32: 1>} : vector<64x64xi32>
    %eq3A = arith.cmpi eq, %iota3A, %iota3A_54 : vector<64x64xi32>
    %convert_element_type3A = arith.extui %eq3A : vector<64x64xi1> to vector<64x64xi32>
    %convert_element_type3A_55 = arith.sitofp %convert_element_type3A : vector<64x64xi32> to vector<64x64xf32>
    %slice3A = vector.extract_strided_slice %get3A_53 {offsets = [0, 0], sizes = [4096, 64], strides = [1, 1]} : vector<4096x128xf32> to vector<4096x64xf32>
    %dot_general3A_56 = arith.constant dense<0.000000e+00> : vector<64x4096xf32>
    %dot_general3A_57 = tpu.matmul %convert_element_type3A_55, %slice3A, %dot_general3A_56 {dimension_numbers = #tpu.dot_dimension_numbers<[1], [1], [0], [0], [0, 0, 1, 0], [], []>, transpose_lhs_hint = false} : vector<64x64xf32>, vector<4096x64xf32>, vector<64x4096xf32> -> vector<64x4096xf32>
    %slice3A_58 = vector.extract_strided_slice %get3A_53 {offsets = [0, 64], sizes = [4096, 64], strides = [1, 1]} : vector<4096x128xf32> to vector<4096x64xf32>
    %dot_general3A_59 = arith.constant dense<0.000000e+00> : vector<64x4096xf32>
    %dot_general3A_60 = tpu.matmul %convert_element_type3A_55, %slice3A_58, %dot_general3A_59 {dimension_numbers = #tpu.dot_dimension_numbers<[1], [1], [0], [0], [0, 0, 1, 0], [], []>, precision = #tpu.contract_precision<fp32>, transpose_lhs_hint = false} : vector<64x64xf32>, vector<4096x64xf32>, vector<64x4096xf32> -> vector<64x4096xf32>
    %convert_element_type3A_61 = arith.fptosi %dot_general3A_57 : vector<64x4096xf32> to vector<64x4096xi32>
    %broadcast_in_dim3A = vector.shape_cast %squeeze3A : vector<32xf32> to vector<1x32xf32>
    %broadcast_in_dim3A_62 = vector.shape_cast %broadcast_in_dim3A : vector<1x32xf32> to vector<1x32xf32>
    %broadcast_in_dim3A_63 = vector.broadcast %broadcast_in_dim3A_62 : vector<1x32xf32> to vector<64x32xf32>
    %broadcast_in_dim3A_64 = vector.shape_cast %squeeze3A_47 : vector<32xf32> to vector<1x32xf32>
    %broadcast_in_dim3A_65 = vector.shape_cast %broadcast_in_dim3A_64 : vector<1x32xf32> to vector<1x32xf32>
    %broadcast_in_dim3A_66 = vector.broadcast %broadcast_in_dim3A_65 : vector<1x32xf32> to vector<64x32xf32>
    %broadcast_in_dim3A_67 = arith.constant 0 : i32
    %broadcast_in_dim3A_68 = vector.broadcast %broadcast_in_dim3A_67 : i32 to vector<64x1xi32>
    %slice3A_69 = vector.extract_strided_slice %get3A_50 {offsets = [0, 0], sizes = [64, 4095], strides = [1, 1]} : vector<64x4096xi32> to vector<64x4095xi32>
    %concatenate3A = tpu.concatenate %broadcast_in_dim3A_68, %slice3A_69 in 1 : vector<64x1xi32>, vector<64x4095xi32> -> vector<64x4096xi32>
    %mul3A_70 = arith.constant 2 : i32
    %mul3A_71 = vector.broadcast %mul3A_70 : i32 to vector<64x4096xi32>
    %mul3A_72 = arith.muli %mul3A_71, %concatenate3A : vector<64x4096xi32>
    %add3A_73 = arith.addi %get3A_50, %mul3A_72 : vector<64x4096xi32>
    %broadcast_in_dim3A_74 = arith.constant 0 : i32
    %broadcast_in_dim3A_75 = vector.broadcast %broadcast_in_dim3A_74 : i32 to vector<64x2xi32>
    %slice3A_76 = vector.extract_strided_slice %get3A_50 {offsets = [0, 0], sizes = [64, 4094], strides = [1, 1]} : vector<64x4096xi32> to vector<64x4094xi32>
    %concatenate3A_77 = tpu.concatenate %broadcast_in_dim3A_75, %slice3A_76 in 1 : vector<64x2xi32>, vector<64x4094xi32> -> vector<64x4096xi32>
    %mul3A_78 = arith.constant 4 : i32
    %mul3A_79 = vector.broadcast %mul3A_78 : i32 to vector<64x4096xi32>
    %mul3A_80 = arith.muli %mul3A_79, %concatenate3A_77 : vector<64x4096xi32>
    %add3A_81 = arith.addi %add3A_73, %mul3A_80 : vector<64x4096xi32>
    %broadcast_in_dim3A_82 = arith.constant 0 : i32
    %broadcast_in_dim3A_83 = vector.broadcast %broadcast_in_dim3A_82 : i32 to vector<64x3xi32>
    %slice3A_84 = vector.extract_strided_slice %get3A_50 {offsets = [0, 0], sizes = [64, 4093], strides = [1, 1]} : vector<64x4096xi32> to vector<64x4093xi32>
    %concatenate3A_85 = tpu.concatenate %broadcast_in_dim3A_83, %slice3A_84 in 1 : vector<64x3xi32>, vector<64x4093xi32> -> vector<64x4096xi32>
    %mul3A_86 = arith.constant 8 : i32
    %mul3A_87 = vector.broadcast %mul3A_86 : i32 to vector<64x4096xi32>
    %mul3A_88 = arith.muli %mul3A_87, %concatenate3A_85 : vector<64x4096xi32>
    %add3A_89 = arith.addi %add3A_81, %mul3A_88 : vector<64x4096xi32>
    %broadcast_in_dim3A_90 = arith.constant 0 : i32
    %broadcast_in_dim3A_91 = vector.broadcast %broadcast_in_dim3A_90 : i32 to vector<64x4xi32>
    %slice3A_92 = vector.extract_strided_slice %get3A_50 {offsets = [0, 0], sizes = [64, 4092], strides = [1, 1]} : vector<64x4096xi32> to vector<64x4092xi32>
    %concatenate3A_93 = tpu.concatenate %broadcast_in_dim3A_91, %slice3A_92 in 1 : vector<64x4xi32>, vector<64x4092xi32> -> vector<64x4096xi32>
    %mul3A_94 = arith.constant 16 : i32
    %mul3A_95 = vector.broadcast %mul3A_94 : i32 to vector<64x4096xi32>
    %mul3A_96 = arith.muli %mul3A_95, %concatenate3A_93 : vector<64x4096xi32>
    %add3A_97 = arith.addi %add3A_89, %mul3A_96 : vector<64x4096xi32>
    %lt3A = arith.constant 0 : i32
    %lt3A_98 = vector.broadcast %lt3A : i32 to vector<64x4096xi32>
    %lt3A_99 = arith.cmpi slt, %add3A_97, %lt3A_98 : vector<64x4096xi32>
    %add3A_100 = arith.constant 32 : i32
    %add3A_101 = vector.broadcast %add3A_100 : i32 to vector<64x4096xi32>
    %add3A_102 = arith.addi %add3A_97, %add3A_101 : vector<64x4096xi32>
    %select_n3A = arith.select %lt3A_99, %add3A_102, %add3A_97 : vector<64x4096xi1>, vector<64x4096xi32>
    %reshape3A = vector.shape_cast %select_n3A : vector<64x4096xi32> to vector<64x4096x1xi32>
    %gather3A = vector.shape_cast %reshape3A : vector<64x4096x1xi32> to vector<64x4096xi32>
    %gather3A_103 = tpu.dynamic_gather %broadcast_in_dim3A_63[%gather3A] in [1] : vector<64x32xf32>, vector<64x4096xi32> -> vector<64x4096xf32>
    %broadcast_in_dim3A_104 = arith.constant 0 : i32
    %broadcast_in_dim3A_105 = vector.broadcast %broadcast_in_dim3A_104 : i32 to vector<64x1xi32>
    %slice3A_106 = vector.extract_strided_slice %convert_element_type3A_61 {offsets = [0, 0], sizes = [64, 4095], strides = [1, 1]} : vector<64x4096xi32> to vector<64x4095xi32>
    %concatenate3A_107 = tpu.concatenate %broadcast_in_dim3A_105, %slice3A_106 in 1 : vector<64x1xi32>, vector<64x4095xi32> -> vector<64x4096xi32>
    %mul3A_108 = arith.constant 2 : i32
    %mul3A_109 = vector.broadcast %mul3A_108 : i32 to vector<64x4096xi32>
    %mul3A_110 = arith.muli %mul3A_109, %concatenate3A_107 : vector<64x4096xi32>
    %add3A_111 = arith.addi %convert_element_type3A_61, %mul3A_110 : vector<64x4096xi32>
    %broadcast_in_dim3A_112 = arith.constant 0 : i32
    %broadcast_in_dim3A_113 = vector.broadcast %broadcast_in_dim3A_112 : i32 to vector<64x2xi32>
    %slice3A_114 = vector.extract_strided_slice %convert_element_type3A_61 {offsets = [0, 0], sizes = [64, 4094], strides = [1, 1]} : vector<64x4096xi32> to vector<64x4094xi32>
    %concatenate3A_115 = tpu.concatenate %broadcast_in_dim3A_113, %slice3A_114 in 1 : vector<64x2xi32>, vector<64x4094xi32> -> vector<64x4096xi32>
    %mul3A_116 = arith.constant 4 : i32
    %mul3A_117 = vector.broadcast %mul3A_116 : i32 to vector<64x4096xi32>
    %mul3A_118 = arith.muli %mul3A_117, %concatenate3A_115 : vector<64x4096xi32>
    %add3A_119 = arith.addi %add3A_111, %mul3A_118 : vector<64x4096xi32>
    %broadcast_in_dim3A_120 = arith.constant 0 : i32
    %broadcast_in_dim3A_121 = vector.broadcast %broadcast_in_dim3A_120 : i32 to vector<64x3xi32>
    %slice3A_122 = vector.extract_strided_slice %convert_element_type3A_61 {offsets = [0, 0], sizes = [64, 4093], strides = [1, 1]} : vector<64x4096xi32> to vector<64x4093xi32>
    %concatenate3A_123 = tpu.concatenate %broadcast_in_dim3A_121, %slice3A_122 in 1 : vector<64x3xi32>, vector<64x4093xi32> -> vector<64x4096xi32>
    %mul3A_124 = arith.constant 8 : i32
    %mul3A_125 = vector.broadcast %mul3A_124 : i32 to vector<64x4096xi32>
    %mul3A_126 = arith.muli %mul3A_125, %concatenate3A_123 : vector<64x4096xi32>
    %add3A_127 = arith.addi %add3A_119, %mul3A_126 : vector<64x4096xi32>
    %broadcast_in_dim3A_128 = arith.constant 0 : i32
    %broadcast_in_dim3A_129 = vector.broadcast %broadcast_in_dim3A_128 : i32 to vector<64x4xi32>
    %slice3A_130 = vector.extract_strided_slice %convert_element_type3A_61 {offsets = [0, 0], sizes = [64, 4092], strides = [1, 1]} : vector<64x4096xi32> to vector<64x4092xi32>
    %concatenate3A_131 = tpu.concatenate %broadcast_in_dim3A_129, %slice3A_130 in 1 : vector<64x4xi32>, vector<64x4092xi32> -> vector<64x4096xi32>
    %mul3A_132 = arith.constant 16 : i32
    %mul3A_133 = vector.broadcast %mul3A_132 : i32 to vector<64x4096xi32>
    %mul3A_134 = arith.muli %mul3A_133, %concatenate3A_131 : vector<64x4096xi32>
    %add3A_135 = arith.addi %add3A_127, %mul3A_134 : vector<64x4096xi32>
    %lt3A_136 = arith.constant 0 : i32
    %lt3A_137 = vector.broadcast %lt3A_136 : i32 to vector<64x4096xi32>
    %lt3A_138 = arith.cmpi slt, %add3A_135, %lt3A_137 : vector<64x4096xi32>
    %add3A_139 = arith.constant 32 : i32
    %add3A_140 = vector.broadcast %add3A_139 : i32 to vector<64x4096xi32>
    %add3A_141 = arith.addi %add3A_135, %add3A_140 : vector<64x4096xi32>
    %select_n3A_142 = arith.select %lt3A_138, %add3A_141, %add3A_135 : vector<64x4096xi1>, vector<64x4096xi32>
    %reshape3A_143 = vector.shape_cast %select_n3A_142 : vector<64x4096xi32> to vector<64x4096x1xi32>
    %gather3A_144 = vector.shape_cast %reshape3A_143 : vector<64x4096x1xi32> to vector<64x4096xi32>
    %gather3A_145 = tpu.dynamic_gather %broadcast_in_dim3A_66[%gather3A_144] in [1] : vector<64x32xf32>, vector<64x4096xi32> -> vector<64x4096xf32>
    %swap3A = arith.constant 0 : index
    %swap3A_146 = arith.constant 0 : index
    %swap3A_147 = vector.load %arg11[%swap3A, %swap3A_146] : memref<64x4096xf32, #tpu.memory_space<vmem>>, vector<64x4096xf32>
    tpu.vector_store %arg11[%swap3A, %swap3A_146], %gather3A_103 {strides = array<i32>} : memref<64x4096xf32, #tpu.memory_space<vmem>>, vector<64x4096xf32>,
    %swap3A_148 = arith.constant 0 : index
    %swap3A_149 = arith.constant 0 : index
    %swap3A_150 = vector.load %arg12[%swap3A_148, %swap3A_149] : memref<64x4096xf32, #tpu.memory_space<vmem>>, vector<64x4096xf32>
    tpu.vector_store %arg12[%swap3A_148, %swap3A_149], %gather3A_145 {strides = array<i32>} : memref<64x4096xf32, #tpu.memory_space<vmem>>, vector<64x4096xf32>,
    %reduce_sum3A = vector.shape_cast %gather3A_103 : vector<64x4096xf32> to vector<1x64x4096xf32>
    %reduce_sum3A_151 = arith.constant dense<0.000000e+00> : vector<1xf32>
    %reduce_sum3A_152 = vector.multi_reduction <add>, %reduce_sum3A, %reduce_sum3A_151 [1, 2] : vector<1x64x4096xf32> to vector<1xf32>
    %reduce_sum3A_153 = vector.shape_cast %reduce_sum3A_152 : vector<1xf32> to vector<1x1x1xf32>
    %reduce_sum3A_154 = vector.extract %reduce_sum3A_153[0, 0, 0] : f32 from vector<1x1x1xf32>
    %mul3A_155 = arith.mulf %gather3A_103, %gather3A_103 : vector<64x4096xf32>
    %reduce_sum3A_156 = vector.shape_cast %mul3A_155 : vector<64x4096xf32> to vector<1x64x4096xf32>
    %reduce_sum3A_157 = arith.constant dense<0.000000e+00> : vector<1xf32>
    %reduce_sum3A_158 = vector.multi_reduction <add>, %reduce_sum3A_156, %reduce_sum3A_157 [1, 2] : vector<1x64x4096xf32> to vector<1xf32>
    %reduce_sum3A_159 = vector.shape_cast %reduce_sum3A_158 : vector<1xf32> to vector<1x1x1xf32>
    %reduce_sum3A_160 = vector.extract %reduce_sum3A_159[0, 0, 0] : f32 from vector<1x1x1xf32>
    %reduce_sum3A_161 = vector.shape_cast %gather3A_145 : vector<64x4096xf32> to vector<1x64x4096xf32>
    %reduce_sum3A_162 = arith.constant dense<0.000000e+00> : vector<1xf32>
    %reduce_sum3A_163 = vector.multi_reduction <add>, %reduce_sum3A_161, %reduce_sum3A_162 [1, 2] : vector<1x64x4096xf32> to vector<1xf32>
    %reduce_sum3A_164 = vector.shape_cast %reduce_sum3A_163 : vector<1xf32> to vector<1x1x1xf32>
    %reduce_sum3A_165 = vector.extract %reduce_sum3A_164[0, 0, 0] : f32 from vector<1x1x1xf32>
    %mul3A_166 = arith.mulf %gather3A_145, %gather3A_145 : vector<64x4096xf32>
    %reduce_sum3A_167 = vector.shape_cast %mul3A_166 : vector<64x4096xf32> to vector<1x64x4096xf32>
    %reduce_sum3A_168 = arith.constant dense<0.000000e+00> : vector<1xf32>
    %reduce_sum3A_169 = vector.multi_reduction <add>, %reduce_sum3A_167, %reduce_sum3A_168 [1, 2] : vector<1x64x4096xf32> to vector<1xf32>
    %reduce_sum3A_170 = vector.shape_cast %reduce_sum3A_169 : vector<1xf32> to vector<1x1x1xf32>
    %reduce_sum3A_171 = vector.extract %reduce_sum3A_170[0, 0, 0] : f32 from vector<1x1x1xf32>
    %mul3A_172 = arith.constant 2.000000e+00 : f32
    %mul3A_173 = vector.broadcast %mul3A_172 : f32 to vector<64x4096xf32>
    %mul3A_174 = arith.mulf %mul3A_173, %dot_general3A_57 : vector<64x4096xf32>
    %sub3A_175 = arith.constant 1.000000e+00 : f32
    %sub3A_176 = vector.broadcast %sub3A_175 : f32 to vector<64x4096xf32>
    %sub3A_177 = arith.subf %mul3A_174, %sub3A_176 : vector<64x4096xf32>
    %mul3A_178 = arith.constant 5.000000e-01 : f32
    %mul3A_179 = vector.broadcast %mul3A_178 : f32 to vector<64x4096xf32>
    %mul3A_180 = arith.mulf %mul3A_179, %dot_general3A_60 : vector<64x4096xf32>
    %add3A_181 = arith.addf %sub3A_177, %mul3A_180 : vector<64x4096xf32>
    %swap3A_182 = arith.constant 0 : index
    %swap3A_183 = arith.constant 0 : index
    %swap3A_184 = vector.load %arg13[%swap3A_182, %swap3A_183] : memref<64x4096xf32, #tpu.memory_space<vmem>>, vector<64x4096xf32>
    tpu.vector_store %arg13[%swap3A_182, %swap3A_183], %add3A_181 {strides = array<i32>} : memref<64x4096xf32, #tpu.memory_space<vmem>>, vector<64x4096xf32>,
    %mul3A_185 = arith.constant 3.81469727E-6 : f32
    %mul3A_186 = arith.mulf %reduce_sum3A_154, %mul3A_185 : f32
    %mul3A_187 = arith.constant 3.81469727E-6 : f32
    %mul3A_188 = arith.mulf %reduce_sum3A_165, %mul3A_187 : f32
    %mul3A_189 = arith.constant 3.81469727E-6 : f32
    %mul3A_190 = arith.mulf %reduce_sum3A_160, %mul3A_189 : f32
    %mul3A_191 = arith.mulf %mul3A_186, %mul3A_186 : f32
    %sub3A_192 = arith.subf %mul3A_190, %mul3A_191 : f32
    %max3A = arith.constant 1.000000e-30 : f32
    %max3A_193 = arith.maximumf %sub3A_192, %max3A : f32
    %rsqrt3A = math.rsqrt %max3A_193 : f32
    %mul3A_194 = arith.constant 3.81469727E-6 : f32
    %mul3A_195 = arith.mulf %reduce_sum3A_171, %mul3A_194 : f32
    %mul3A_196 = arith.mulf %mul3A_188, %mul3A_188 : f32
    %sub3A_197 = arith.subf %mul3A_195, %mul3A_196 : f32
    %max3A_198 = arith.constant 1.000000e-30 : f32
    %max3A_199 = arith.maximumf %sub3A_197, %max3A_198 : f32
    %rsqrt3A_200 = math.rsqrt %max3A_199 : f32
    %get3A_201 = arith.constant 0 : index
    %get3A_202 = arith.constant 0 : index
    %get3A_203 = vector.load %arg11[%get3A_201, %get3A_202] : memref<64x4096xf32, #tpu.memory_space<vmem>>, vector<64x512xf32>
    %sub3A_204 = vector.broadcast %mul3A_186 : f32 to vector<64x512xf32>
    %sub3A_205 = arith.subf %get3A_203, %sub3A_204 : vector<64x512xf32>
    %mul3A_206 = vector.broadcast %rsqrt3A : f32 to vector<64x512xf32>
    %mul3A_207 = arith.mulf %sub3A_205, %mul3A_206 : vector<64x512xf32>
    %swap3A_208 = arith.constant 0 : index
    %swap3A_209 = arith.constant 0 : index
    %swap3A_210 = vector.load %arg11[%swap3A_208, %swap3A_209] : memref<64x4096xf32, #tpu.memory_space<vmem>>, vector<64x512xf32>
    tpu.vector_store %arg11[%swap3A_208, %swap3A_209], %mul3A_207 {strides = array<i32>} : memref<64x4096xf32, #tpu.memory_space<vmem>>, vector<64x512xf32>,
    %get3A_211 = arith.constant 0 : index
    %get3A_212 = arith.constant 0 : index
    %get3A_213 = vector.load %arg12[%get3A_211, %get3A_212] : memref<64x4096xf32, #tpu.memory_space<vmem>>, vector<64x512xf32>
    %sub3A_214 = vector.broadcast %mul3A_188 : f32 to vector<64x512xf32>
    %sub3A_215 = arith.subf %get3A_213, %sub3A_214 : vector<64x512xf32>
    %mul3A_216 = vector.broadcast %rsqrt3A_200 : f32 to vector<64x512xf32>
    %mul3A_217 = arith.mulf %sub3A_215, %mul3A_216 : vector<64x512xf32>
    %swap3A_218 = arith.constant 0 : index
    %swap3A_219 = arith.constant 0 : index
    %swap3A_220 = vector.load %arg12[%swap3A_218, %swap3A_219] : memref<64x4096xf32, #tpu.memory_space<vmem>>, vector<64x512xf32>
    tpu.vector_store %arg12[%swap3A_218, %swap3A_219], %mul3A_217 {strides = array<i32>} : memref<64x4096xf32, #tpu.memory_space<vmem>>, vector<64x512xf32>,
    %get3A_221 = arith.constant 0 : index
    %get3A_222 = arith.constant 512 : index
    %get3A_223 = vector.load %arg11[%get3A_221, %get3A_222] : memref<64x4096xf32, #tpu.memory_space<vmem>>, vector<64x512xf32>
    %sub3A_224 = vector.broadcast %mul3A_186 : f32 to vector<64x512xf32>
    %sub3A_225 = arith.subf %get3A_223, %sub3A_224 : vector<64x512xf32>
    %mul3A_226 = vector.broadcast %rsqrt3A : f32 to vector<64x512xf32>
    %mul3A_227 = arith.mulf %sub3A_225, %mul3A_226 : vector<64x512xf32>
    %swap3A_228 = arith.constant 0 : index
    %swap3A_229 = arith.constant 512 : index
    %swap3A_230 = vector.load %arg11[%swap3A_228, %swap3A_229] : memref<64x4096xf32, #tpu.memory_space<vmem>>, vector<64x512xf32>
    tpu.vector_store %arg11[%swap3A_228, %swap3A_229], %mul3A_227 {strides = array<i32>} : memref<64x4096xf32, #tpu.memory_space<vmem>>, vector<64x512xf32>,
    %get3A_231 = arith.constant 0 : index
    %get3A_232 = arith.constant 512 : index
    %get3A_233 = vector.load %arg12[%get3A_231, %get3A_232] : memref<64x4096xf32, #tpu.memory_space<vmem>>, vector<64x512xf32>
    %sub3A_234 = vector.broadcast %mul3A_188 : f32 to vector<64x512xf32>
    %sub3A_235 = arith.subf %get3A_233, %sub3A_234 : vector<64x512xf32>
    %mul3A_236 = vector.broadcast %rsqrt3A_200 : f32 to vector<64x512xf32>
    %mul3A_237 = arith.mulf %sub3A_235, %mul3A_236 : vector<64x512xf32>
    %swap3A_238 = arith.constant 0 : index
    %swap3A_239 = arith.constant 512 : index
    %swap3A_240 = vector.load %arg12[%swap3A_238, %swap3A_239] : memref<64x4096xf32, #tpu.memory_space<vmem>>, vector<64x512xf32>
    tpu.vector_store %arg12[%swap3A_238, %swap3A_239], %mul3A_237 {strides = array<i32>} : memref<64x4096xf32, #tpu.memory_space<vmem>>, vector<64x512xf32>,
    %get3A_241 = arith.constant 0 : index
    %get3A_242 = arith.constant 1024 : index
    %get3A_243 = vector.load %arg11[%get3A_241, %get3A_242] : memref<64x4096xf32, #tpu.memory_space<vmem>>, vector<64x512xf32>
    %sub3A_244 = vector.broadcast %mul3A_186 : f32 to vector<64x512xf32>
    %sub3A_245 = arith.subf %get3A_243, %sub3A_244 : vector<64x512xf32>
    %mul3A_246 = vector.broadcast %rsqrt3A : f32 to vector<64x512xf32>
    %mul3A_247 = arith.mulf %sub3A_245, %mul3A_246 : vector<64x512xf32>
    %swap3A_248 = arith.constant 0 : index
    %swap3A_249 = arith.constant 1024 : index
    %swap3A_250 = vector.load %arg11[%swap3A_248, %swap3A_249] : memref<64x4096xf32, #tpu.memory_space<vmem>>, vector<64x512xf32>
    tpu.vector_store %arg11[%swap3A_248, %swap3A_249], %mul3A_247 {strides = array<i32>} : memref<64x4096xf32, #tpu.memory_space<vmem>>, vector<64x512xf32>,
    %get3A_251 = arith.constant 0 : index
    %get3A_252 = arith.constant 1024 : index
    %get3A_253 = vector.load %arg12[%get3A_251, %get3A_252] : memref<64x4096xf32, #tpu.memory_space<vmem>>, vector<64x512xf32>
    %sub3A_254 = vector.broadcast %mul3A_188 : f32 to vector<64x512xf32>
    %sub3A_255 = arith.subf %get3A_253, %sub3A_254 : vector<64x512xf32>
    %mul3A_256 = vector.broadcast %rsqrt3A_200 : f32 to vector<64x512xf32>
    %mul3A_257 = arith.mulf %sub3A_255, %mul3A_256 : vector<64x512xf32>
    %swap3A_258 = arith.constant 0 : index
    %swap3A_259 = arith.constant 1024 : index
    %swap3A_260 = vector.load %arg12[%swap3A_258, %swap3A_259] : memref<64x4096xf32, #tpu.memory_space<vmem>>, vector<64x512xf32>
    tpu.vector_store %arg12[%swap3A_258, %swap3A_259], %mul3A_257 {strides = array<i32>} : memref<64x4096xf32, #tpu.memory_space<vmem>>, vector<64x512xf32>,
    %get3A_261 = arith.constant 0 : index
    %get3A_262 = arith.constant 1536 : index
    %get3A_263 = vector.load %arg11[%get3A_261, %get3A_262] : memref<64x4096xf32, #tpu.memory_space<vmem>>, vector<64x512xf32>
    %sub3A_264 = vector.broadcast %mul3A_186 : f32 to vector<64x512xf32>
    %sub3A_265 = arith.subf %get3A_263, %sub3A_264 : vector<64x512xf32>
    %mul3A_266 = vector.broadcast %rsqrt3A : f32 to vector<64x512xf32>
    %mul3A_267 = arith.mulf %sub3A_265, %mul3A_266 : vector<64x512xf32>
    %swap3A_268 = arith.constant 0 : index
    %swap3A_269 = arith.constant 1536 : index
    %swap3A_270 = vector.load %arg11[%swap3A_268, %swap3A_269] : memref<64x4096xf32, #tpu.memory_space<vmem>>, vector<64x512xf32>
    tpu.vector_store %arg11[%swap3A_268, %swap3A_269], %mul3A_267 {strides = array<i32>} : memref<64x4096xf32, #tpu.memory_space<vmem>>, vector<64x512xf32>,
    %get3A_271 = arith.constant 0 : index
    %get3A_272 = arith.constant 1536 : index
    %get3A_273 = vector.load %arg12[%get3A_271, %get3A_272] : memref<64x4096xf32, #tpu.memory_space<vmem>>, vector<64x512xf32>
    %sub3A_274 = vector.broadcast %mul3A_188 : f32 to vector<64x512xf32>
    %sub3A_275 = arith.subf %get3A_273, %sub3A_274 : vector<64x512xf32>
    %mul3A_276 = vector.broadcast %rsqrt3A_200 : f32 to vector<64x512xf32>
    %mul3A_277 = arith.mulf %sub3A_275, %mul3A_276 : vector<64x512xf32>
    %swap3A_278 = arith.constant 0 : index
    %swap3A_279 = arith.constant 1536 : index
    %swap3A_280 = vector.load %arg12[%swap3A_278, %swap3A_279] : memref<64x4096xf32, #tpu.memory_space<vmem>>, vector<64x512xf32>
    tpu.vector_store %arg12[%swap3A_278, %swap3A_279], %mul3A_277 {strides = array<i32>} : memref<64x4096xf32, #tpu.memory_space<vmem>>, vector<64x512xf32>,
    %get3A_281 = arith.constant 0 : index
    %get3A_282 = arith.constant 2048 : index
    %get3A_283 = vector.load %arg11[%get3A_281, %get3A_282] : memref<64x4096xf32, #tpu.memory_space<vmem>>, vector<64x512xf32>
    %sub3A_284 = vector.broadcast %mul3A_186 : f32 to vector<64x512xf32>
    %sub3A_285 = arith.subf %get3A_283, %sub3A_284 : vector<64x512xf32>
    %mul3A_286 = vector.broadcast %rsqrt3A : f32 to vector<64x512xf32>
    %mul3A_287 = arith.mulf %sub3A_285, %mul3A_286 : vector<64x512xf32>
    %swap3A_288 = arith.constant 0 : index
    %swap3A_289 = arith.constant 2048 : index
    %swap3A_290 = vector.load %arg11[%swap3A_288, %swap3A_289] : memref<64x4096xf32, #tpu.memory_space<vmem>>, vector<64x512xf32>
    tpu.vector_store %arg11[%swap3A_288, %swap3A_289], %mul3A_287 {strides = array<i32>} : memref<64x4096xf32, #tpu.memory_space<vmem>>, vector<64x512xf32>,
    %get3A_291 = arith.constant 0 : index
    %get3A_292 = arith.constant 2048 : index
    %get3A_293 = vector.load %arg12[%get3A_291, %get3A_292] : memref<64x4096xf32, #tpu.memory_space<vmem>>, vector<64x512xf32>
    %sub3A_294 = vector.broadcast %mul3A_188 : f32 to vector<64x512xf32>
    %sub3A_295 = arith.subf %get3A_293, %sub3A_294 : vector<64x512xf32>
    %mul3A_296 = vector.broadcast %rsqrt3A_200 : f32 to vector<64x512xf32>
    %mul3A_297 = arith.mulf %sub3A_295, %mul3A_296 : vector<64x512xf32>
    %swap3A_298 = arith.constant 0 : index
    %swap3A_299 = arith.constant 2048 : index
    %swap3A_300 = vector.load %arg12[%swap3A_298, %swap3A_299] : memref<64x4096xf32, #tpu.memory_space<vmem>>, vector<64x512xf32>
    tpu.vector_store %arg12[%swap3A_298, %swap3A_299], %mul3A_297 {strides = array<i32>} : memref<64x4096xf32, #tpu.memory_space<vmem>>, vector<64x512xf32>,
    %get3A_301 = arith.constant 0 : index
    %get3A_302 = arith.constant 2560 : index
    %get3A_303 = vector.load %arg11[%get3A_301, %get3A_302] : memref<64x4096xf32, #tpu.memory_space<vmem>>, vector<64x512xf32>
    %sub3A_304 = vector.broadcast %mul3A_186 : f32 to vector<64x512xf32>
    %sub3A_305 = arith.subf %get3A_303, %sub3A_304 : vector<64x512xf32>
    %mul3A_306 = vector.broadcast %rsqrt3A : f32 to vector<64x512xf32>
    %mul3A_307 = arith.mulf %sub3A_305, %mul3A_306 : vector<64x512xf32>
    %swap3A_308 = arith.constant 0 : index
    %swap3A_309 = arith.constant 2560 : index
    %swap3A_310 = vector.load %arg11[%swap3A_308, %swap3A_309] : memref<64x4096xf32, #tpu.memory_space<vmem>>, vector<64x512xf32>
    tpu.vector_store %arg11[%swap3A_308, %swap3A_309], %mul3A_307 {strides = array<i32>} : memref<64x4096xf32, #tpu.memory_space<vmem>>, vector<64x512xf32>,
    %get3A_311 = arith.constant 0 : index
    %get3A_312 = arith.constant 2560 : index
    %get3A_313 = vector.load %arg12[%get3A_311, %get3A_312] : memref<64x4096xf32, #tpu.memory_space<vmem>>, vector<64x512xf32>
    %sub3A_314 = vector.broadcast %mul3A_188 : f32 to vector<64x512xf32>
    %sub3A_315 = arith.subf %get3A_313, %sub3A_314 : vector<64x512xf32>
    %mul3A_316 = vector.broadcast %rsqrt3A_200 : f32 to vector<64x512xf32>
    %mul3A_317 = arith.mulf %sub3A_315, %mul3A_316 : vector<64x512xf32>
    %swap3A_318 = arith.constant 0 : index
    %swap3A_319 = arith.constant 2560 : index
    %swap3A_320 = vector.load %arg12[%swap3A_318, %swap3A_319] : memref<64x4096xf32, #tpu.memory_space<vmem>>, vector<64x512xf32>
    tpu.vector_store %arg12[%swap3A_318, %swap3A_319], %mul3A_317 {strides = array<i32>} : memref<64x4096xf32, #tpu.memory_space<vmem>>, vector<64x512xf32>,
    %get3A_321 = arith.constant 0 : index
    %get3A_322 = arith.constant 3072 : index
    %get3A_323 = vector.load %arg11[%get3A_321, %get3A_322] : memref<64x4096xf32, #tpu.memory_space<vmem>>, vector<64x512xf32>
    %sub3A_324 = vector.broadcast %mul3A_186 : f32 to vector<64x512xf32>
    %sub3A_325 = arith.subf %get3A_323, %sub3A_324 : vector<64x512xf32>
    %mul3A_326 = vector.broadcast %rsqrt3A : f32 to vector<64x512xf32>
    %mul3A_327 = arith.mulf %sub3A_325, %mul3A_326 : vector<64x512xf32>
    %swap3A_328 = arith.constant 0 : index
    %swap3A_329 = arith.constant 3072 : index
    %swap3A_330 = vector.load %arg11[%swap3A_328, %swap3A_329] : memref<64x4096xf32, #tpu.memory_space<vmem>>, vector<64x512xf32>
    tpu.vector_store %arg11[%swap3A_328, %swap3A_329], %mul3A_327 {strides = array<i32>} : memref<64x4096xf32, #tpu.memory_space<vmem>>, vector<64x512xf32>,
    %get3A_331 = arith.constant 0 : index
    %get3A_332 = arith.constant 3072 : index
    %get3A_333 = vector.load %arg12[%get3A_331, %get3A_332] : memref<64x4096xf32, #tpu.memory_space<vmem>>, vector<64x512xf32>
    %sub3A_334 = vector.broadcast %mul3A_188 : f32 to vector<64x512xf32>
    %sub3A_335 = arith.subf %get3A_333, %sub3A_334 : vector<64x512xf32>
    %mul3A_336 = vector.broadcast %rsqrt3A_200 : f32 to vector<64x512xf32>
    %mul3A_337 = arith.mulf %sub3A_335, %mul3A_336 : vector<64x512xf32>
    %swap3A_338 = arith.constant 0 : index
    %swap3A_339 = arith.constant 3072 : index
    %swap3A_340 = vector.load %arg12[%swap3A_338, %swap3A_339] : memref<64x4096xf32, #tpu.memory_space<vmem>>, vector<64x512xf32>
    tpu.vector_store %arg12[%swap3A_338, %swap3A_339], %mul3A_337 {strides = array<i32>} : memref<64x4096xf32, #tpu.memory_space<vmem>>, vector<64x512xf32>,
    %get3A_341 = arith.constant 0 : index
    %get3A_342 = arith.constant 3584 : index
    %get3A_343 = vector.load %arg11[%get3A_341, %get3A_342] : memref<64x4096xf32, #tpu.memory_space<vmem>>, vector<64x512xf32>
    %sub3A_344 = vector.broadcast %mul3A_186 : f32 to vector<64x512xf32>
    %sub3A_345 = arith.subf %get3A_343, %sub3A_344 : vector<64x512xf32>
    %mul3A_346 = vector.broadcast %rsqrt3A : f32 to vector<64x512xf32>
    %mul3A_347 = arith.mulf %sub3A_345, %mul3A_346 : vector<64x512xf32>
    %swap3A_348 = arith.constant 0 : index
    %swap3A_349 = arith.constant 3584 : index
    %swap3A_350 = vector.load %arg11[%swap3A_348, %swap3A_349] : memref<64x4096xf32, #tpu.memory_space<vmem>>, vector<64x512xf32>
    tpu.vector_store %arg11[%swap3A_348, %swap3A_349], %mul3A_347 {strides = array<i32>} : memref<64x4096xf32, #tpu.memory_space<vmem>>, vector<64x512xf32>,
    %get3A_351 = arith.constant 0 : index
    %get3A_352 = arith.constant 3584 : index
    %get3A_353 = vector.load %arg12[%get3A_351, %get3A_352] : memref<64x4096xf32, #tpu.memory_space<vmem>>, vector<64x512xf32>
    %sub3A_354 = vector.broadcast %mul3A_188 : f32 to vector<64x512xf32>
    %sub3A_355 = arith.subf %get3A_353, %sub3A_354 : vector<64x512xf32>
    %mul3A_356 = vector.broadcast %rsqrt3A_200 : f32 to vector<64x512xf32>
    %mul3A_357 = arith.mulf %sub3A_355, %mul3A_356 : vector<64x512xf32>
    %swap3A_358 = arith.constant 0 : index
    %swap3A_359 = arith.constant 3584 : index
    %swap3A_360 = vector.load %arg12[%swap3A_358, %swap3A_359] : memref<64x4096xf32, #tpu.memory_space<vmem>>, vector<64x512xf32>
    tpu.vector_store %arg12[%swap3A_358, %swap3A_359], %mul3A_357 {strides = array<i32>} : memref<64x4096xf32, #tpu.memory_space<vmem>>, vector<64x512xf32>,
    %slice3A_361 = vector.extract_strided_slice %sub3A_5 {offsets = [0, 4], sizes = [32, 1], strides = [1, 1]} : vector<32x5xf32> to vector<32x1xf32>
    %sub3A_362 = vector.broadcast %mul3A_186 : f32 to vector<32xf32>
    %sub3A_363 = arith.subf %squeeze3A, %sub3A_362 : vector<32xf32>
    %mul3A_364 = vector.broadcast %rsqrt3A : f32 to vector<32xf32>
    %mul3A_365 = arith.mulf %sub3A_363, %mul3A_364 : vector<32xf32>
    %broadcast_in_dim3A_366 = vector.shape_cast %mul3A_365 : vector<32xf32> to vector<32x1xf32>
    %concatenate3A_367 = tpu.concatenate %slice3A_361, %broadcast_in_dim3A_366 in 1 : vector<32x1xf32>, vector<32x1xf32> -> vector<32x2xf32>
    %swap3A_368 = arith.constant 0 : index
    %swap3A_369 = arith.constant 0 : index
    %swap3A_370 = vector.load %arg14[%swap3A_368, %swap3A_369] : memref<32x2xf32, #tpu.memory_space<vmem>>, vector<32x2xf32>
    tpu.vector_store %arg14[%swap3A_368, %swap3A_369], %concatenate3A_367 {strides = array<i32>} : memref<32x2xf32, #tpu.memory_space<vmem>>, vector<32x2xf32>,
    %slice3A_371 = vector.extract_strided_slice %sub3A_5 {offsets = [0, 4], sizes = [32, 1], strides = [1, 1]} : vector<32x5xf32> to vector<32x1xf32>
    %sub3A_372 = vector.broadcast %mul3A_188 : f32 to vector<32xf32>
    %sub3A_373 = arith.subf %squeeze3A_47, %sub3A_372 : vector<32xf32>
    %mul3A_374 = vector.broadcast %rsqrt3A_200 : f32 to vector<32xf32>
    %mul3A_375 = arith.mulf %sub3A_373, %mul3A_374 : vector<32xf32>
    %broadcast_in_dim3A_376 = vector.shape_cast %mul3A_375 : vector<32xf32> to vector<32x1xf32>
    %concatenate3A_377 = tpu.concatenate %slice3A_371, %broadcast_in_dim3A_376 in 1 : vector<32x1xf32>, vector<32x1xf32> -> vector<32x2xf32>
    %swap3A_378 = arith.constant 0 : index
    %swap3A_379 = arith.constant 0 : index
    %swap3A_380 = vector.load %arg15[%swap3A_378, %swap3A_379] : memref<32x2xf32, #tpu.memory_space<vmem>>, vector<32x2xf32>
    tpu.vector_store %arg15[%swap3A_378, %swap3A_379], %concatenate3A_377 {strides = array<i32>} : memref<32x2xf32, #tpu.memory_space<vmem>>, vector<32x2xf32>,
    return
  }
}

</mosaic_0001>

<sc_bundles>
// kernel: kernel.4.cloned.1.call-start
scs
__scs_entry_jumppad:
0x0: {  	(pc) =	sbr.rel $0x88, $3  }
0x1: {  	(tag) =	ssettag $0x0;
	lr =	simm.s32 $0x1  }
0x2: {  	[smem:$0x3F93] =	sst lr;
	_ =	strace $0xD0000000  }
0x3: {  	_ = 	snop  }
0x4: {  	_ = 	snop  }
0x5: {  	_ = 	snop  }
0x6: {  	_ = 	snop  }
0x7: {  	_ = 	snop  }
__scs_overlays_trampoline_lowered:
0x8: {  	[smem:$0x3FA2] =	sst s0  }
0x9: {  	[smem:$0x3FA3] =	sst s1  }
0xa: {  	[smem:$0x3FA4] =	sst s2  }
0xb: {  	[smem:$0x3FA5] =	sst s3  }
0xc: {  	[smem:$0x3FA6] =	sst s4  }
0xd: {  	[smem:$0x3FA7] =	sst s5  }
0xe: {  	[smem:$0x3FA8] =	sst s6  }
0xf: {  	[smem:$0x3FA9] =	sst s7  }
0x10: {  	[smem:$0x3FAA] =	sst s8  }
0x11: {  	[smem:$0x3FAB] =	sst s9;
	s0 =	simm.s32 @!p0 $0x0  }
0x12: {  	s1 =	sld [smem:$0x3F91];
	s0 =	simm.s32 @p0 $0x1  }
0x13: {  	[smem:$0x3FAC] =	sst s0;
	s0 =	simm.s32 @!p1 $0x0  }
0x14: {  	s2 =	sld [smem:$0x3F90];
	s0 =	simm.s32 @p1 $0x1  }
0x15: {  	[smem:$0x3FAD] =	sst s0;
	s0 =	simm.s32 @!p2 $0x0  }
0x16: {  	s3 =	sld [smem:$0x3FDB];
	s0 =	simm.s32 @p2 $0x1  }
0x17: {  	s4 =	simm.s32 $0x1BF5;
	[smem:$0x3FAF] =	sst s0  }
0x18: {  	s0 =	sld [smem:$0x3F92];
	_ =	swait.ge [sflag:s4], $0x0  }
0x19: {  	s7 =	sld [smem:$0x3F93]  }
0x1a: {  	s8 =	sadd.s32 $0xFFFFE003, lr  }
0x1b: {  	s9 =	sadd.s32 $0xFFFFFEF7, lr;
	s5 =	simm.s32 $0xFFFFFFFF;
	p2 =	slt.u32 s8, $0xFFFFF086  }
0x1c: {  	p1 =	slt.u32 s9, $0xF7A;
	s5 =	simm.s32 @!p2 $0x0  }
0x1d: {  	s5 =	simm.s32 @p1 $0x1;
	p0 =	seq.s32 s7, s2  }
0x1e: {  	s7 =	smul.u32 @!p0 $0xF7A, s2;
	p2 =	seq.s32 @!p0 s5, $0x0  }
0x1f: {  	s9 =	smul.u32 $0xF7A, s1;
	s8 =	simm.s32 @!p0 $0x1BF5;
	p2 =	por !p2, p0  }
0x20: {  	[sflag:s8] =	ssyncset.s32 @!p0 $0xFFFFF086;
	s6 =	sadd.s32 @!p0 s3, s7;
	s7 =	simm.s32 @!p0 $0x108  }
0x21: {  	s3 =	sadd.s32 s3, s9;
	s6 =	sadd.s32 @!p0 $0x88, s6;
	s7 =	simm.s32 @p2 $0x1082  }
0x22: {  	[simem:s7], [sflag:s8] =	dma.local @!p0 [hbm:s6], $0xF7A  }
0x23: {  	s9 =	sor.u32 $0xD0000000, s2;
	s6 =	simm.s32 $0x108;
	_ =	swait.ge @!p0 [sflag:s8], $0x0  }
0x24: {  	s3 =	sadd.s32 $0x88, s3;
	s6 =	simm.s32 @!p1 $0x1082;
	[sflag:s4] =	ssyncset.s32 $0xFFFFF086  }
0x25: {  	[simem:s6], [sflag:s4] =	dma.local [hbm:s3], $0xF7A  }
0x26: {  	[smem:$0x3F93] =	sst s1;
	(tag) =	ssettag s2;
	_ =	strace s9  }
0x27: {  	s1 =	sld [smem:$0x3FA3]  }
0x28: {  	s2 =	sld [smem:$0x3FA4]  }
0x29: {  	s4 =	sld [smem:$0x3FA6]  }
0x2a: {  	p0 =	seq.s32 s5, $0x0;
	s5 =	sld [smem:$0x3FA7]  }
0x2b: {  	s6 =	sld [smem:$0x3FA8]  }
0x2c: {  	s7 =	sld [smem:$0x3FA9]  }
0x2d: {  	s3 =	simm.s32 $0x108;
	s8 =	sld [smem:$0x3FAA]  }
0x2e: {  	s3 =	simm.s32 @!p0 $0x1082;
	s9 =	sld [smem:$0x3FAB]  }
0x2f: {  	lr =	sadd.s32 s0, s3;
	s0 =	sld [smem:$0x3FA2]  }
0x30: {  	s3 =	sld [smem:$0x3FA5]  }
0x31: {  	[smem:$0x3FAE] =	sst s10  }
0x32: {  	s10 =	sld [smem:$0x3FAC];
	_ =	sdelay $0x3  }
0x33: {  	p0 =	seq.s32 s10, $0x1;
	s10 =	sld [smem:$0x3FAE];
	_ =	sdelay $0x3  }
0x34: {  	[smem:$0x3FAE] =	sst s10  }
0x35: {  	s10 =	sld [smem:$0x3FAD];
	_ =	sdelay $0x3  }
0x36: {  	p1 =	seq.s32 s10, $0x1;
	s10 =	sld [smem:$0x3FAE];
	_ =	sdelay $0x3  }
0x37: {  	[smem:$0x3FAE] =	sst s10  }
0x38: {  	s10 =	sld [smem:$0x3FAF]  }
0x39: {  	_ = 	snop;
	(pc) =	sbr.ind lr, $3  }
0x3a: {  	_ = 	snop  }
0x3b: {  	_ = 	snop  }
0x3c: {  	p2 =	seq.s32 s10, $0x1;
	s10 =	sld [smem:$0x3FAE]  }
0x3d: {  	_ =	shalt  }
0x3e: {  	_ =	shalt  }
0x3f: {  	_ =	shalt  }
0x40: {  	_ =	shalt  }
0x41: {  	_ =	shalt  }
0x42: {  	_ =	shalt  }
0x43: {  	_ =	shalt  }
0x44: {  	_ =	shalt  }
0x45: {  	_ =	shalt  }
0x46: {  	_ =	shalt  }
0x47: {  	_ =	shalt  }
0x48: {  	_ =	shalt  }
0x49: {  	_ =	shalt  }
0x4a: {  	_ =	shalt  }
0x4b: {  	_ =	shalt  }
0x4c: {  	_ =	shalt  }
0x4d: {  	_ =	shalt  }
0x4e: {  	_ =	shalt  }
0x4f: {  	_ =	shalt  }
0x50: {  	_ =	shalt  }
0x51: {  	_ =	shalt  }
0x52: {  	_ =	shalt  }
0x53: {  	_ =	shalt  }
0x54: {  	_ =	shalt  }
0x55: {  	_ =	shalt  }
0x56: {  	_ =	shalt  }
0x57: {  	_ =	shalt  }
0x58: {  	_ =	shalt  }
0x59: {  	_ =	shalt  }
0x5a: {  	_ =	shalt  }
0x5b: {  	_ =	shalt  }
0x5c: {  	_ =	shalt  }
0x5d: {  	_ =	shalt  }
0x5e: {  	_ =	shalt  }
0x5f: {  	_ =	shalt  }
0x60: {  	_ =	shalt  }
0x61: {  	_ =	shalt  }
0x62: {  	_ =	shalt  }
0x63: {  	_ =	shalt  }
0x64: {  	_ =	shalt  }
0x65: {  	_ =	shalt  }
0x66: {  	_ =	shalt  }
0x67: {  	_ =	shalt  }
0x68: {  	_ =	shalt  }
0x69: {  	_ =	shalt  }
0x6a: {  	_ =	shalt  }
0x6b: {  	_ =	shalt  }
0x6c: {  	_ =	shalt  }
0x6d: {  	_ =	shalt  }
0x6e: {  	_ =	shalt  }
0x6f: {  	_ =	shalt  }
0x70: {  	_ =	shalt  }
0x71: {  	_ =	shalt  }
0x72: {  	_ =	shalt  }
0x73: {  	_ =	shalt  }
0x74: {  	_ =	shalt  }
0x75: {  	_ =	shalt  }
0x76: {  	_ =	shalt  }
0x77: {  	_ =	shalt  }
0x78: {  	_ =	shalt  }
0x79: {  	_ =	shalt  }
0x7a: {  	_ =	shalt  }
0x7b: {  	_ =	shalt  }
0x7c: {  	_ =	shalt  }
0x7d: {  	_ =	shalt  }
0x7e: {  	_ =	shalt  }
0x7f: {  	_ =	shalt  }
0x80: {  	_ =	shalt  }
0x81: {  	_ =	shalt  }
0x82: {  	_ =	shalt  }
0x83: {  	_ =	shalt  }
0x84: {  	_ =	shalt  }
0x85: {  	_ =	shalt  }
0x86: {  	_ =	shalt  }
0x87: {  	_ =	shalt  }
.Lfunc_end0:
.L_simem_size_0:
called_computation_lowered:
.L_overlay_start_0:
0x88: {  	s2 =	sld [smem:$0x3FD9]  }
0x89: {  	s3 =	sld [smem:$0x3FFE];
	_ =	sdelay $0x1  }
0x8a: {  	s1 =	srdreg.scid  }
0x8b: {  	s0 =	sand.u32 $0x1, s1  }
0x8c: {  	s17 =	sshll.u32 s0, $0xA;
	s2 =	sadd.s32 s3, s2  }
0x8d: {  	s2 =	sadd.s32 s2, s17  }
0x8e: {  	[smem:$0x3FBA] =	sst s2  }
0x8f: {  	_ = 	snop  }
0x90: {  	s2 =	sld [smem:$0x3FC8];
	(tm) =	ssettm $0x1  }
0x91: {  	s18 =	sld [smem:$0x3FFB];
	_ =	sdelay $0x3  }
0x92: {  	_ =	strace s18  }
0x93: {  	s3 =	sld [smem:$0x3FFC];
	_ =	sdelay $0x3  }
0x94: {  	_ =	strace s3  }
0x95: {  	s3 =	sld [smem:$0x3FFD];
	_ =	sdelay $0x3  }
0x96: {  	_ =	strace s3  }
0x97: {  	_ =	strace $0x8FFFFFFF  }
0x98: {  	s19 =	sld [smem:$0x3FDB];
	_ =	sdelay $0x1  }
0x99: {  	s4 =	simm.s32 $_scs_section_size  }
0x9a: {  	s5 =	simm.s32 $_size__tile_overlayer_lowered;
	s6 =	simm.s32 $_tile_overlayer_lowered  }
0x9b: {  	s22 =	simm.s32 $0x1BFF;
	s21 =	sshll.u32 s6, $0x1;
	s3 =	sadd.s32 s4, s19  }
0x9c: {  	s7 =	simm.s32 $0x0;
	s20 =	sshll.u32 s5, $0x1;
	s5 =	sadd.s32 s21, s3  }
0x9d: {  	[timem:s7], [sflag:s22] =	dma.local [hbm:s5], s20  }
0x9e: {  	_ =	swait.ge [sflag:s22], s20  }
0x9f: {  	s4 =	ssub.s32 $0x0, s20;
	[sflag:s22] =	ssyncset.done $0x0  }
0xa0: {  	[sflag:s22] =	ssyncadd.s32 s4;
	_ =	sdelay $0x1  }
0xa1: {  	s23 =	simm.s32 $0x1B8B  }
0xa2: {  	_ =	swait.ge [sflag:s23], $0x1  }
0xa3: {  	[sflag:s23] =	ssyncset.done $0x0  }
0xa4: {  	s25 =	simm.s32 $0x1B8E;
	s24 =	sld [smem:$0x3FFE];
	[sflag:s23] =	ssyncadd.s32 $0xFFFFFFFF  }
0xa5: {  	s26 =	simm.s32 $execute0_lowered;
	[smem:$0x3FD2] =	sst s25  }
0xa6: {  	s5 =	sshll.u32 s26, $0x1;
	_ =	strace $0x80000046;
	[dreg:$0x1] =	wrdreg $0xFFFFFFFF  }
0xa7: {  	s28 =	simm.s32 $_size_execute0_lowered;
	s3 =	sadd.s32 s3, s5;
	[dreg:$0x0] =	wrdreg $0x0  }
0xa8: {  	s5 =	sshll.u32 s28, $0x1;
	[dreg:$0x2] =	wrdreg s3  }
0xa9: {  	[dreg:$0x3] =	wrdreg s5  }
0xaa: {  	[dreg:$0x4] =	wrdreg $0xC0  }
0xab: {  	_ =	task [dreg:s7], $0x5FFFF  }
0xac: {  	[dreg:$0x1] =	wrdreg $0xFFFFFFFF  }
0xad: {  	[dreg:$0x0] =	wrdreg $0x60  }
0xae: {  	[dreg:$0x2] =	wrdreg s24  }
0xaf: {  	[dreg:$0x3] =	wrdreg s2  }
0xb0: {  	[dreg:$0x4] =	wrdreg $0x9  }
0xb1: {  	_ =	task.clear_ibuf [dreg:s7], $0x5FFFF;
	_ =	strace $0x90000046  }
0xb2: {  	s29 =	simm.s32 $0x9;
	_ =	strace $0x80000048  }
0xb3: {  	_ =	swait.ge [sflag:s29], $0x1  }
0xb4: {  	[sflag:s29] =	ssyncadd.s32 $0xFFFFFFFF  }
0xb5: {  	_ =	strace $0x90000048  }
0xb6: {  	_ =	sfence  }
0xb7: {  	s30 =	sld [smem:$0x0];
	_ =	sdelay $0x2  }
0xb8: {  	s31 =	sshll.u32 s1, $0xD;
	s1 =	sshrl.u32 s1, $0x2  }
0xb9: {  	s3 =	sand.u32 $0x4000, s31;
	s1 =	sadd.s32 s1, s30  }
0xba: {  	s0 =	sor.u32 s3, s0;
	s1 =	sshll.u32 s1, $0x11  }
0xbb: {  	s0 =	sor.u32 s1, s0  }
0xbc: {  	s0 =	sadd.s32 $0x8F2B, s0  }
0xbd: {  	[sflag:s0] =	ssyncadd.remote.s32 $0x1  }
0xbe: {  	_ =	sfence.sel $0xFFFF  }
0xbf: {  	[dreg:$0x0] =	wrdreg $0xFFFFFFFF;
	(pc) =	sbr.abs _section_cstart, $3  }
0xc0: {  	[dreg:$0x1] =	wrdreg $0xFFFFFFFF  }
0xc1: {  	_ =	task.clear_ibuf [dreg:s7], $0x2FFFF;
	_ =	strace $0x9FFFFFFF  }
0xc2: {  	(tm) =	ssettm $0x7FFFFFFF  }
0xc3: {  	_ =	shalt  }
tec
execute0_lowered:
.L_overlay_start_1:
0x0: {  	(tag) =	ssettag $0x1  }
0x1: {  	s1 =	srdreg.scid  }
0x2: {  	s8 =	rddreg [dreg:$0x0];
	s0 =	stileid.u32  }
0x3: {  	s3 =	rddreg [dreg:$0x1];
	s2 =	simm.s32 $0x0;
	s6 =	sand.u32 $0x1, s1  }
0x4: {  	s4 =	sshll.u32 s0, $0x8;
	s1 =	rddreg [dreg:$0x2];
	s5 =	sshll.u32 s6, $0x7  }
0x5: {  	s7 =	simm.s32 $0x1;
	[smem:$0x7FF] =	sst s2;
	s9 =	sor.u32 s5, s4  }
0x6: {  	_ =	strace $0x80000047;
	s10 =	ssub.s32 $0x2, s6;
	s4 =	sshrl.u32 s9, $0x3  }
0x7: {  	s6 =	simm.s32 $0x80;
	s4 =	sadd.s32 s3, s4;
	s3 =	simm.s32 $0x2  }
0x8: {  	[tilespmem:s2], [sflag:$0x2] =	stream.linear.gather [hbm4b:s4+s2], $0x80, $0x38;
	[tilespmem:$0x4080] =	vst v63  }
0x9: {  	s5 =	sadd.s32 $0x2200, s8;
	s11 =	sshrl.u32 s10, $0x1;
	_ =	swait.ge [sflag:s3], $0x80  }
0xa: {  	s9 =	sshll.u32 s9, $0x4;
	s31 =	ssub.s32 s10, s11;
	[sflag:s3] =	ssyncset.done $0x0  }
0xb: {  	s8 =	sadd.s32 s9, s8;
	s9 =	smax.u32 s31, $0x1;
	[sflag:s3] =	ssyncadd.s32 $0xFFFFFF80  }
0xc: {  	[tilespmem:s6], [sflag:$0x1] =	stream.indirect.gather [hbm4b:s5+s6], $0x80, s2, s6, $0xb8;
	[tilespmem:$0x4080] =	vst v63  }
0xd: {  	p0 =	sne.s32 s9, $0x1;
	_ =	swait.ge [sflag:s7], $0x4000  }
.Ltmp0:
0xe: {  	[sflag:s7] =	ssyncset.done $0x0;
	(pc) =	sbr.rel @!p0 .LBB2_2-.Ltmp0, $4  }
0xf: {  	s8 =	sadd.s32 $0x12200, s8;
	[sflag:s7] =	ssyncadd.s32 $0xFFFFC000  }
0x10: {  	[hbm4b:s8+s2] =	stream.linear.scatter [tilespmem:s6], [sflag:$0x2], $0x4000, $0x38;
	[tilespmem:$0x4080] =	vst v63  }
0x11: {  	_ =	swait.ge [sflag:s3], $0x4000  }
0x12: {  	s9 =	sadd.s32 $0xFFFFFFFF, s9;
	[sflag:s3] =	ssyncset.done $0x0  }
.LBB2_1:
0x13: {  	p0 =	sne.s32 s9, $0x1;
	s9 =	sadd.s32 $0xFFFFFFFF, s9;
	[sflag:s3] =	ssyncadd.s32 $0xFFFFC000  }
0x14: {  	[tilespmem:s2], [sflag:$0x2] =	stream.linear.gather [hbm4b:s4+s2], $0x80, $0x38;
	[tilespmem:$0x4080] =	vst v63  }
0x15: {  	_ =	swait.ge [sflag:s3], $0x80  }
0x16: {  	[sflag:s3] =	ssyncset.done $0x0  }
0x17: {  	[sflag:s3] =	ssyncadd.s32 $0xFFFFFF80  }
0x18: {  	[tilespmem:s6], [sflag:$0x1] =	stream.indirect.gather [hbm4b:s5+s6], $0x80, s2, s6, $0xb8;
	[tilespmem:$0x4080] =	vst v63  }
0x19: {  	_ =	swait.ge [sflag:s7], $0x4000  }
.Ltmp1:
0x1a: {  	[sflag:s7] =	ssyncset.done $0x0;
	(pc) =	sbr.rel @p0 .LBB2_1-.Ltmp1, $4  }
0x1b: {  	[sflag:s7] =	ssyncadd.s32 $0xFFFFC000  }
0x1c: {  	[hbm4b:s8+s2] =	stream.linear.scatter [tilespmem:s6], [sflag:$0x2], $0x4000, $0x38;
	[tilespmem:$0x4080] =	vst v63  }
0x1d: {  	_ =	swait.ge [sflag:s3], $0x4000  }
0x1e: {  	[sflag:s3] =	ssyncset.done $0x0  }
.LBB2_2:
0x1f: {  	[sflag:s3] =	ssyncadd.s32 $0xFFFFC000  }
0x20: {  	_ =	sfence.sel $0x180000  }
0x21: {  	[bflag:$0x0] =	sbarrier.arrive $0xFFFF  }
0x22: {  	p0 =	sne.s32 s0, $0x0;
	_ =	strace $0x90000047  }
0x23: {  	s0 =	sadd.s32 @!p0 $0x100000, s1;
	[bflag:$0x2] =	sbarrier.arrive $0xFFFF  }
0x24: {  	[sflag:s0] =	ssyncadd.tile.s32 @!p0 $0x1;
	_ =	shalt  }
.Lfunc_end2:
_tile_overlayer_lowered:
.L_overlay_start_2:
0x25: {  	(tag) =	ssettag $0x2  }
0x26: {  	s0 =	rddreg [dreg:$0x0];
	s2 =	stileid.u32  }
0x27: {  	s1 =	rddreg [dreg:$0x1];
	p0 =	sne.s32 s2, $0x0  }
0x28: {  	s3 =	rddreg [dreg:$0x2];
	[bflag:$0x3] =	sbarrier.arrive $0xFFFF;
	s2 =	simm.s32 @!p0 $0x1C02  }
0x29: {  	[timem:s3], [sflag:s2] =	dma.local @!p0 [hbm:s0], s1  }
0x2a: {  	s0 =	simm.s32 @!p0 $0x2  }
0x2b: {  	_ =	swait.ge @!p0 [sflag:s0], s1  }
0x2c: {  	s1 =	ssub.s32 @!p0 $0x0, s1;
	[sflag:s0] =	ssyncset.done @!p0 $0x0  }
0x2d: {  	[sflag:s0] =	ssyncadd.s32 @!p0 s1  }
0x2e: {  	[bflag:$0x3] =	sbarrier.arrive $0xFFFF  }
0x2f: {  	_ =	shalt  }

</sc_bundles>
